<compile_context>
chip_gen: v7x
topology: tpu7x:2x2x1
jax: 0.10.2.dev20260603
libtpu: 0.0.44.dev20260713+nightly
codegen_flags: <defaults>
</compile_context>

<pallas_src>
import functools

import jax
import jax.numpy as jnp
from jax import lax
from jax.experimental import pallas as pl
from jax.experimental.pallas import tpu as pltpu
from jax.experimental.pallas import tpu_sc as plsc

DIM = 768
NC = 2
NS = 16
NW = NC * NS
CHUNK = 40
NBUF = 4
LAG = 2


@functools.lru_cache(maxsize=None)
def _make_gather(n_rows):
    b_per_w = n_rows // NW
    n_chunks = b_per_w // CHUNK
    n_super = n_chunks // NBUF
    mesh = plsc.VectorSubcoreMesh(core_axis_name="c", subcore_axis_name="s")

    @functools.partial(
        pl.kernel,
        mesh=mesh,
        out_type=jax.ShapeDtypeStruct((n_rows, DIM), jnp.float32),
        scratch_types=[
            pltpu.VMEM((b_per_w,), jnp.int32),
        ]
        + [pltpu.VMEM((CHUNK, DIM), jnp.float32) for _ in range(NBUF)]
        + [pltpu.SemaphoreType.DMA for _ in range(2 * NBUF)],
    )
    def gather_kernel(idx_hbm, table_hbm, out_hbm, idx_v, *scratch):
        bufs = scratch[:NBUF]
        gsem = scratch[NBUF:2 * NBUF]
        ssem = scratch[2 * NBUF:]
        wid = lax.axis_index("s") * NC + lax.axis_index("c")
        base = wid * b_per_w
        pltpu.sync_copy(idx_hbm.at[pl.ds(base, b_per_w)], idx_v)

        def fire_gather(g, b):
            pltpu.async_copy(
                table_hbm.at[idx_v.at[pl.ds(g * CHUNK, CHUNK)]], bufs[b],
                gsem[b])

        def fire_store(g, b):
            pltpu.async_copy(bufs[b], out_hbm.at[pl.ds(base + g * CHUNK, CHUNK)],
                             ssem[b])

        def wait_gather(b):
            pltpu.make_async_copy(
                table_hbm.at[idx_v.at[pl.ds(0, CHUNK)]], bufs[b], gsem[b]
            ).wait()

        def wait_store(b):
            pltpu.make_async_copy(
                bufs[b], out_hbm.at[pl.ds(base, CHUNK)], ssem[b]
            ).wait()

        def body(s, carry):
            for b in range(NBUF):
                g = s * NBUF + b

                @pl.when(g >= NBUF)
                def _():
                    wait_store(b)

                fire_gather(g, b)
                bs = (b - LAG) % NBUF

                @pl.when(g >= LAG)
                def _():
                    wait_gather(bs)
                    fire_store(g - LAG, bs)

            return carry

        lax.fori_loop(0, n_super, body, 0)

        for j in range(LAG):
            g = n_chunks - LAG + j
            b = g % NBUF
            wait_gather(b)
            fire_store(g, b)
        for b in range(NBUF):
            wait_store(b)

    return gather_kernel


def kernel(token_ids, table):
    b, l = token_ids.shape
    idx = token_ids.reshape(-1).astype(jnp.int32)
    out = _make_gather(b * l)(idx, table)
    return out.reshape(b, l, DIM)

# --- scband reference (transcript-rebuilt; emitter-appended) ---
"""Pipeline reference for scband-text-embedding-91139206021139 (READ-ONLY COPY).

The authoritative reference and input builder live on the scoring server;
editing this copy changes nothing except your own understanding.
"""

import jax, jax.numpy as jnp
import numpy as np

VOCAB = 30522
DIM = 768
B = 1024
L = 200

def setup_inputs(seed: int = 0) -> dict:
    key = jax.random.key(seed)
    k1, k2 = jax.random.split(key)
    token_ids = jax.random.randint(k1, (B, L), 0, VOCAB, dtype=jnp.int64 if jax.config.jax_enable_x64 else jnp.int32)
    table = jax.random.normal(k2, (VOCAB, DIM), dtype=jnp.float32) * 0.02
    return {"token_ids": token_ids, "table": table}

def reference(token_ids, table):
    # Faithful translation of nn.Embedding lookup: token_ebd = self.text_embedding(token_ids)
    token_ebd = jnp.take(table, token_ids, axis=0)
    return token_ebd

if __name__ == "__main__":
    import jax
    _d = setup_inputs()
    print(jax.jit(kernel)(*tuple(_d.values())))

</pallas_src>

<mosaic_0001>
#map = affine_map<(d0, d1) -> (0)>
#map1 = affine_map<(d0, d1) -> (0, 0)>
module attributes {stable_mosaic.version = 14 : i64} {
  func.func @gather_kernel(%arg0: i32, %arg1: i32, %arg2: memref<204800xi32, #tpu.memory_space<hbm>>, %arg3: memref<30522x768xf32, #tpu.memory_space<hbm>>, %arg4: memref<204800x768xf32, #tpu.memory_space<hbm>>, %arg5: memref<6400xi32, #tpu.memory_space<vmem>>, %arg6: memref<40x768xf32, #tpu.memory_space<vmem>>, %arg7: memref<40x768xf32, #tpu.memory_space<vmem>>, %arg8: memref<40x768xf32, #tpu.memory_space<vmem>>, %arg9: memref<40x768xf32, #tpu.memory_space<vmem>>, %arg10: memref<!tpu.dma_semaphore, #tpu.memory_space<semaphore_mem>>, %arg11: memref<!tpu.dma_semaphore, #tpu.memory_space<semaphore_mem>>, %arg12: memref<!tpu.dma_semaphore, #tpu.memory_space<semaphore_mem>>, %arg13: memref<!tpu.dma_semaphore, #tpu.memory_space<semaphore_mem>>, %arg14: memref<!tpu.dma_semaphore, #tpu.memory_space<semaphore_mem>>, %arg15: memref<!tpu.dma_semaphore, #tpu.memory_space<semaphore_mem>>, %arg16: memref<!tpu.dma_semaphore, #tpu.memory_space<semaphore_mem>>, %arg17: memref<!tpu.dma_semaphore, #tpu.memory_space<semaphore_mem>>) attributes {dimension_semantics = [#tpu.dimension_semantics<core_parallel>, #tpu.dimension_semantics<subcore_parallel>], iteration_bounds = array<i64: 2, 16>, scalar_prefetch = 0 : i64, scratch_operands = 13 : i64, tpu.core_type = #tpu.core_type<sc_vector_subcore>, window_params = [{transform_indices = #map}, {transform_indices = #map1}, {transform_indices = #map1}]} {
    %mul3A = arith.constant 2 : i32
    %mul3A_0 = arith.muli %arg1, %mul3A : i32
    %add3A = arith.addi %mul3A_0, %arg0 : i32
    %mul3A_1 = arith.constant 6400 : i32
    %mul3A_2 = arith.muli %add3A, %mul3A_1 : i32
    "tpu.region"() ({
      %run_scoped3A = tpu.sem_alloc : memref<!tpu.dma_semaphore, #tpu.memory_space<semaphore_mem>>
      %dma_start3A_44 = tpu.memref_slice %arg2[%mul3A_2] : memref<204800xi32, #tpu.memory_space<hbm>> -> memref<6400xi32, #tpu.memory_space<hbm>>
      %dma_start3A_45 = tpu.memref_slice %arg2[%mul3A_2] : memref<204800xi32, #tpu.memory_space<hbm>> -> memref<6400xi32, #tpu.memory_space<hbm>>
      tpu.enqueue_dma source(%dma_start3A_45 : memref<6400xi32, #tpu.memory_space<hbm>>) target(%arg5 : memref<6400xi32, #tpu.memory_space<vmem>>) target_semaphore(%run_scoped3A : memref<!tpu.dma_semaphore, #tpu.memory_space<semaphore_mem>>)
      %dma_wait3A_46 = tpu.memref_slice %arg2[%mul3A_2] : memref<204800xi32, #tpu.memory_space<hbm>> -> memref<6400xi32, #tpu.memory_space<hbm>>
      %dma_wait3A_47 = tpu.memref_slice %arg2[%mul3A_2] : memref<204800xi32, #tpu.memory_space<hbm>> -> memref<6400xi32, #tpu.memory_space<hbm>>
      tpu.wait_dma2 semaphore(%run_scoped3A : memref<!tpu.dma_semaphore, #tpu.memory_space<semaphore_mem>>) src(%dma_wait3A_47 : memref<6400xi32, #tpu.memory_space<hbm>>) dst(%arg5 : memref<6400xi32, #tpu.memory_space<vmem>>)
      tpu.yield
    }) : () -> ()
    %scan3A = arith.constant 0 : i32
    %scan3A_3 = arith.constant 0 : i32
    %scan3A_4 = arith.constant 40 : i32
    %scan3A_5 = arith.addi %scan3A_3, %scan3A_4 : i32
    %scan3A_6 = arith.constant 1 : i32
    scf.for %scan3A_44 = %scan3A_3 to %scan3A_5 step %scan3A_6  : i32 {
      %mul3A_45 = arith.constant 4 : i32
      %mul3A_46 = arith.muli %scan3A_44, %mul3A_45 : i32
      %add3A_47 = arith.constant 0 : i32
      %add3A_48 = arith.addi %mul3A_46, %add3A_47 : i32
      %ge3A = arith.constant 4 : i32
      %ge3A_49 = arith.cmpi sge, %add3A_48, %ge3A : i32
      %convert_element_type3A = arith.extui %ge3A_49 : i1 to i32
      %cond3A = arith.constant 0 : i32
      %cond3A_50 = arith.cmpi ne, %convert_element_type3A, %cond3A : i32
      scf.if %cond3A_50 {
        %dma_wait3A_122 = arith.constant 0 : i32
        %dma_wait3A_123 = tpu.memref_slice %arg4[%mul3A_2, %dma_wait3A_122] : memref<204800x768xf32, #tpu.memory_space<hbm>> -> memref<40x768xf32, #tpu.memory_space<hbm>>
        %dma_wait3A_124 = arith.constant 0 : i32
        %dma_wait3A_125 = tpu.memref_slice %arg4[%mul3A_2, %dma_wait3A_124] : memref<204800x768xf32, #tpu.memory_space<hbm>> -> memref<40x768xf32, #tpu.memory_space<hbm>>
        tpu.wait_dma2 semaphore(%arg14 : memref<!tpu.dma_semaphore, #tpu.memory_space<semaphore_mem>>) src(%arg6 : memref<40x768xf32, #tpu.memory_space<vmem>>) dst(%dma_wait3A_125 : memref<40x768xf32, #tpu.memory_space<hbm>>)
      } else {
      }
      %mul3A_51 = arith.constant 40 : i32
      %mul3A_52 = arith.muli %add3A_48, %mul3A_51 : i32
      %dma_start3A_53 = tpu.memref_slice %arg5[%mul3A_52] : memref<6400xi32, #tpu.memory_space<vmem>> -> memref<40xi32, #tpu.memory_space<vmem>>
      %dma_start3A_54 = arith.constant 0 : i32
      %dma_start3A_55 = arith.constant 0 : i32
      %dma_start3A_56 = tpu.memref_slice %arg3[%dma_start3A_54, %dma_start3A_55] : memref<30522x768xf32, #tpu.memory_space<hbm>> -> memref<30522x768xf32, #tpu.memory_space<hbm>>
      tpu.enqueue_indirect_dma source(%dma_start3A_56 : memref<30522x768xf32, #tpu.memory_space<hbm>>) target(%arg6 : memref<40x768xf32, #tpu.memory_space<vmem>>) offsets(%dma_start3A_53 : memref<40xi32, #tpu.memory_space<vmem>>) semaphore(%arg10 : memref<!tpu.dma_semaphore, #tpu.memory_space<semaphore_mem>>)
      %ge3A_57 = arith.constant 2 : i32
      %ge3A_58 = arith.cmpi sge, %add3A_48, %ge3A_57 : i32
      %convert_element_type3A_59 = arith.extui %ge3A_58 : i1 to i32
      %cond3A_60 = arith.constant 0 : i32
      %cond3A_61 = arith.cmpi ne, %convert_element_type3A_59, %cond3A_60 : i32
      scf.if %cond3A_61 {
        %dma_wait3A_122 = arith.constant 0 : i32
        %dma_wait3A_123 = tpu.memref_slice %arg5[%dma_wait3A_122] : memref<6400xi32, #tpu.memory_space<vmem>> -> memref<40xi32, #tpu.memory_space<vmem>>
        %dma_wait3A_124 = arith.constant 0 : i32
        %dma_wait3A_125 = arith.constant 0 : i32
        %dma_wait3A_126 = tpu.memref_slice %arg3[%dma_wait3A_124, %dma_wait3A_125] : memref<30522x768xf32, #tpu.memory_space<hbm>> -> memref<30522x768xf32, #tpu.memory_space<hbm>>
        tpu.wait_indirect_dma semaphore(%arg12 : memref<!tpu.dma_semaphore, #tpu.memory_space<semaphore_mem>>) src(%dma_wait3A_126 : memref<30522x768xf32, #tpu.memory_space<hbm>>) dst(%arg8 : memref<40x768xf32, #tpu.memory_space<vmem>>)
        %sub3A = arith.constant 2 : i32
        %sub3A_127 = arith.subi %add3A_48, %sub3A : i32
        %mul3A_128 = arith.constant 40 : i32
        %mul3A_129 = arith.muli %sub3A_127, %mul3A_128 : i32
        %add3A_130 = arith.addi %mul3A_2, %mul3A_129 : i32
        %dma_start3A_131 = arith.constant 0 : i32
        %dma_start3A_132 = tpu.memref_slice %arg4[%add3A_130, %dma_start3A_131] : memref<204800x768xf32, #tpu.memory_space<hbm>> -> memref<40x768xf32, #tpu.memory_space<hbm>>
        %dma_start3A_133 = arith.constant 0 : i32
        %dma_start3A_134 = tpu.memref_slice %arg4[%add3A_130, %dma_start3A_133] : memref<204800x768xf32, #tpu.memory_space<hbm>> -> memref<40x768xf32, #tpu.memory_space<hbm>>
        tpu.enqueue_dma source(%arg8 : memref<40x768xf32, #tpu.memory_space<vmem>>) target(%dma_start3A_134 : memref<40x768xf32, #tpu.memory_space<hbm>>) target_semaphore(%arg16 : memref<!tpu.dma_semaphore, #tpu.memory_space<semaphore_mem>>)
      } else {
      }
      %mul3A_62 = arith.constant 4 : i32
      %mul3A_63 = arith.muli %scan3A_44, %mul3A_62 : i32
      %add3A_64 = arith.constant 1 : i32
      %add3A_65 = arith.addi %mul3A_63, %add3A_64 : i32
      %ge3A_66 = arith.constant 4 : i32
      %ge3A_67 = arith.cmpi sge, %add3A_65, %ge3A_66 : i32
      %convert_element_type3A_68 = arith.extui %ge3A_67 : i1 to i32
      %cond3A_69 = arith.constant 0 : i32
      %cond3A_70 = arith.cmpi ne, %convert_element_type3A_68, %cond3A_69 : i32
      scf.if %cond3A_70 {
        %dma_wait3A_122 = arith.constant 0 : i32
        %dma_wait3A_123 = tpu.memref_slice %arg4[%mul3A_2, %dma_wait3A_122] : memref<204800x768xf32, #tpu.memory_space<hbm>> -> memref<40x768xf32, #tpu.memory_space<hbm>>
        %dma_wait3A_124 = arith.constant 0 : i32
        %dma_wait3A_125 = tpu.memref_slice %arg4[%mul3A_2, %dma_wait3A_124] : memref<204800x768xf32, #tpu.memory_space<hbm>> -> memref<40x768xf32, #tpu.memory_space<hbm>>
        tpu.wait_dma2 semaphore(%arg15 : memref<!tpu.dma_semaphore, #tpu.memory_space<semaphore_mem>>) src(%arg7 : memref<40x768xf32, #tpu.memory_space<vmem>>) dst(%dma_wait3A_125 : memref<40x768xf32, #tpu.memory_space<hbm>>)
      } else {
      }
      %mul3A_71 = arith.constant 40 : i32
      %mul3A_72 = arith.muli %add3A_65, %mul3A_71 : i32
      %dma_start3A_73 = tpu.memref_slice %arg5[%mul3A_72] : memref<6400xi32, #tpu.memory_space<vmem>> -> memref<40xi32, #tpu.memory_space<vmem>>
      %dma_start3A_74 = arith.constant 0 : i32
      %dma_start3A_75 = arith.constant 0 : i32
      %dma_start3A_76 = tpu.memref_slice %arg3[%dma_start3A_74, %dma_start3A_75] : memref<30522x768xf32, #tpu.memory_space<hbm>> -> memref<30522x768xf32, #tpu.memory_space<hbm>>
      tpu.enqueue_indirect_dma source(%dma_start3A_76 : memref<30522x768xf32, #tpu.memory_space<hbm>>) target(%arg7 : memref<40x768xf32, #tpu.memory_space<vmem>>) offsets(%dma_start3A_73 : memref<40xi32, #tpu.memory_space<vmem>>) semaphore(%arg11 : memref<!tpu.dma_semaphore, #tpu.memory_space<semaphore_mem>>)
      %ge3A_77 = arith.constant 2 : i32
      %ge3A_78 = arith.cmpi sge, %add3A_65, %ge3A_77 : i32
      %convert_element_type3A_79 = arith.extui %ge3A_78 : i1 to i32
      %cond3A_80 = arith.constant 0 : i32
      %cond3A_81 = arith.cmpi ne, %convert_element_type3A_79, %cond3A_80 : i32
      scf.if %cond3A_81 {
        %dma_wait3A_122 = arith.constant 0 : i32
        %dma_wait3A_123 = tpu.memref_slice %arg5[%dma_wait3A_122] : memref<6400xi32, #tpu.memory_space<vmem>> -> memref<40xi32, #tpu.memory_space<vmem>>
        %dma_wait3A_124 = arith.constant 0 : i32
        %dma_wait3A_125 = arith.constant 0 : i32
        %dma_wait3A_126 = tpu.memref_slice %arg3[%dma_wait3A_124, %dma_wait3A_125] : memref<30522x768xf32, #tpu.memory_space<hbm>> -> memref<30522x768xf32, #tpu.memory_space<hbm>>
        tpu.wait_indirect_dma semaphore(%arg13 : memref<!tpu.dma_semaphore, #tpu.memory_space<semaphore_mem>>) src(%dma_wait3A_126 : memref<30522x768xf32, #tpu.memory_space<hbm>>) dst(%arg9 : memref<40x768xf32, #tpu.memory_space<vmem>>)
        %sub3A = arith.constant 2 : i32
        %sub3A_127 = arith.subi %add3A_65, %sub3A : i32
        %mul3A_128 = arith.constant 40 : i32
        %mul3A_129 = arith.muli %sub3A_127, %mul3A_128 : i32
        %add3A_130 = arith.addi %mul3A_2, %mul3A_129 : i32
        %dma_start3A_131 = arith.constant 0 : i32
        %dma_start3A_132 = tpu.memref_slice %arg4[%add3A_130, %dma_start3A_131] : memref<204800x768xf32, #tpu.memory_space<hbm>> -> memref<40x768xf32, #tpu.memory_space<hbm>>
        %dma_start3A_133 = arith.constant 0 : i32
        %dma_start3A_134 = tpu.memref_slice %arg4[%add3A_130, %dma_start3A_133] : memref<204800x768xf32, #tpu.memory_space<hbm>> -> memref<40x768xf32, #tpu.memory_space<hbm>>
        tpu.enqueue_dma source(%arg9 : memref<40x768xf32, #tpu.memory_space<vmem>>) target(%dma_start3A_134 : memref<40x768xf32, #tpu.memory_space<hbm>>) target_semaphore(%arg17 : memref<!tpu.dma_semaphore, #tpu.memory_space<semaphore_mem>>)
      } else {
      }
      %mul3A_82 = arith.constant 4 : i32
      %mul3A_83 = arith.muli %scan3A_44, %mul3A_82 : i32
      %add3A_84 = arith.constant 2 : i32
      %add3A_85 = arith.addi %mul3A_83, %add3A_84 : i32
      %ge3A_86 = arith.constant 4 : i32
      %ge3A_87 = arith.cmpi sge, %add3A_85, %ge3A_86 : i32
      %convert_element_type3A_88 = arith.extui %ge3A_87 : i1 to i32
      %cond3A_89 = arith.constant 0 : i32
      %cond3A_90 = arith.cmpi ne, %convert_element_type3A_88, %cond3A_89 : i32
      scf.if %cond3A_90 {
        %dma_wait3A_122 = arith.constant 0 : i32
        %dma_wait3A_123 = tpu.memref_slice %arg4[%mul3A_2, %dma_wait3A_122] : memref<204800x768xf32, #tpu.memory_space<hbm>> -> memref<40x768xf32, #tpu.memory_space<hbm>>
        %dma_wait3A_124 = arith.constant 0 : i32
        %dma_wait3A_125 = tpu.memref_slice %arg4[%mul3A_2, %dma_wait3A_124] : memref<204800x768xf32, #tpu.memory_space<hbm>> -> memref<40x768xf32, #tpu.memory_space<hbm>>
        tpu.wait_dma2 semaphore(%arg16 : memref<!tpu.dma_semaphore, #tpu.memory_space<semaphore_mem>>) src(%arg8 : memref<40x768xf32, #tpu.memory_space<vmem>>) dst(%dma_wait3A_125 : memref<40x768xf32, #tpu.memory_space<hbm>>)
      } else {
      }
      %mul3A_91 = arith.constant 40 : i32
      %mul3A_92 = arith.muli %add3A_85, %mul3A_91 : i32
      %dma_start3A_93 = tpu.memref_slice %arg5[%mul3A_92] : memref<6400xi32, #tpu.memory_space<vmem>> -> memref<40xi32, #tpu.memory_space<vmem>>
      %dma_start3A_94 = arith.constant 0 : i32
      %dma_start3A_95 = arith.constant 0 : i32
      %dma_start3A_96 = tpu.memref_slice %arg3[%dma_start3A_94, %dma_start3A_95] : memref<30522x768xf32, #tpu.memory_space<hbm>> -> memref<30522x768xf32, #tpu.memory_space<hbm>>
      tpu.enqueue_indirect_dma source(%dma_start3A_96 : memref<30522x768xf32, #tpu.memory_space<hbm>>) target(%arg8 : memref<40x768xf32, #tpu.memory_space<vmem>>) offsets(%dma_start3A_93 : memref<40xi32, #tpu.memory_space<vmem>>) semaphore(%arg12 : memref<!tpu.dma_semaphore, #tpu.memory_space<semaphore_mem>>)
      %ge3A_97 = arith.constant 2 : i32
      %ge3A_98 = arith.cmpi sge, %add3A_85, %ge3A_97 : i32
      %convert_element_type3A_99 = arith.extui %ge3A_98 : i1 to i32
      %cond3A_100 = arith.constant 0 : i32
      %cond3A_101 = arith.cmpi ne, %convert_element_type3A_99, %cond3A_100 : i32
      scf.if %cond3A_101 {
        %dma_wait3A_122 = arith.constant 0 : i32
        %dma_wait3A_123 = tpu.memref_slice %arg5[%dma_wait3A_122] : memref<6400xi32, #tpu.memory_space<vmem>> -> memref<40xi32, #tpu.memory_space<vmem>>
        %dma_wait3A_124 = arith.constant 0 : i32
        %dma_wait3A_125 = arith.constant 0 : i32
        %dma_wait3A_126 = tpu.memref_slice %arg3[%dma_wait3A_124, %dma_wait3A_125] : memref<30522x768xf32, #tpu.memory_space<hbm>> -> memref<30522x768xf32, #tpu.memory_space<hbm>>
        tpu.wait_indirect_dma semaphore(%arg10 : memref<!tpu.dma_semaphore, #tpu.memory_space<semaphore_mem>>) src(%dma_wait3A_126 : memref<30522x768xf32, #tpu.memory_space<hbm>>) dst(%arg6 : memref<40x768xf32, #tpu.memory_space<vmem>>)
        %sub3A = arith.constant 2 : i32
        %sub3A_127 = arith.subi %add3A_85, %sub3A : i32
        %mul3A_128 = arith.constant 40 : i32
        %mul3A_129 = arith.muli %sub3A_127, %mul3A_128 : i32
        %add3A_130 = arith.addi %mul3A_2, %mul3A_129 : i32
        %dma_start3A_131 = arith.constant 0 : i32
        %dma_start3A_132 = tpu.memref_slice %arg4[%add3A_130, %dma_start3A_131] : memref<204800x768xf32, #tpu.memory_space<hbm>> -> memref<40x768xf32, #tpu.memory_space<hbm>>
        %dma_start3A_133 = arith.constant 0 : i32
        %dma_start3A_134 = tpu.memref_slice %arg4[%add3A_130, %dma_start3A_133] : memref<204800x768xf32, #tpu.memory_space<hbm>> -> memref<40x768xf32, #tpu.memory_space<hbm>>
        tpu.enqueue_dma source(%arg6 : memref<40x768xf32, #tpu.memory_space<vmem>>) target(%dma_start3A_134 : memref<40x768xf32, #tpu.memory_space<hbm>>) target_semaphore(%arg14 : memref<!tpu.dma_semaphore, #tpu.memory_space<semaphore_mem>>)
      } else {
      }
      %mul3A_102 = arith.constant 4 : i32
      %mul3A_103 = arith.muli %scan3A_44, %mul3A_102 : i32
      %add3A_104 = arith.constant 3 : i32
      %add3A_105 = arith.addi %mul3A_103, %add3A_104 : i32
      %ge3A_106 = arith.constant 4 : i32
      %ge3A_107 = arith.cmpi sge, %add3A_105, %ge3A_106 : i32
      %convert_element_type3A_108 = arith.extui %ge3A_107 : i1 to i32
      %cond3A_109 = arith.constant 0 : i32
      %cond3A_110 = arith.cmpi ne, %convert_element_type3A_108, %cond3A_109 : i32
      scf.if %cond3A_110 {
        %dma_wait3A_122 = arith.constant 0 : i32
        %dma_wait3A_123 = tpu.memref_slice %arg4[%mul3A_2, %dma_wait3A_122] : memref<204800x768xf32, #tpu.memory_space<hbm>> -> memref<40x768xf32, #tpu.memory_space<hbm>>
        %dma_wait3A_124 = arith.constant 0 : i32
        %dma_wait3A_125 = tpu.memref_slice %arg4[%mul3A_2, %dma_wait3A_124] : memref<204800x768xf32, #tpu.memory_space<hbm>> -> memref<40x768xf32, #tpu.memory_space<hbm>>
        tpu.wait_dma2 semaphore(%arg17 : memref<!tpu.dma_semaphore, #tpu.memory_space<semaphore_mem>>) src(%arg9 : memref<40x768xf32, #tpu.memory_space<vmem>>) dst(%dma_wait3A_125 : memref<40x768xf32, #tpu.memory_space<hbm>>)
      } else {
      }
      %mul3A_111 = arith.constant 40 : i32
      %mul3A_112 = arith.muli %add3A_105, %mul3A_111 : i32
      %dma_start3A_113 = tpu.memref_slice %arg5[%mul3A_112] : memref<6400xi32, #tpu.memory_space<vmem>> -> memref<40xi32, #tpu.memory_space<vmem>>
      %dma_start3A_114 = arith.constant 0 : i32
      %dma_start3A_115 = arith.constant 0 : i32
      %dma_start3A_116 = tpu.memref_slice %arg3[%dma_start3A_114, %dma_start3A_115] : memref<30522x768xf32, #tpu.memory_space<hbm>> -> memref<30522x768xf32, #tpu.memory_space<hbm>>
      tpu.enqueue_indirect_dma source(%dma_start3A_116 : memref<30522x768xf32, #tpu.memory_space<hbm>>) target(%arg9 : memref<40x768xf32, #tpu.memory_space<vmem>>) offsets(%dma_start3A_113 : memref<40xi32, #tpu.memory_space<vmem>>) semaphore(%arg13 : memref<!tpu.dma_semaphore, #tpu.memory_space<semaphore_mem>>)
      %ge3A_117 = arith.constant 2 : i32
      %ge3A_118 = arith.cmpi sge, %add3A_105, %ge3A_117 : i32
      %convert_element_type3A_119 = arith.extui %ge3A_118 : i1 to i32
      %cond3A_120 = arith.constant 0 : i32
      %cond3A_121 = arith.cmpi ne, %convert_element_type3A_119, %cond3A_120 : i32
      scf.if %cond3A_121 {
        %dma_wait3A_122 = arith.constant 0 : i32
        %dma_wait3A_123 = tpu.memref_slice %arg5[%dma_wait3A_122] : memref<6400xi32, #tpu.memory_space<vmem>> -> memref<40xi32, #tpu.memory_space<vmem>>
        %dma_wait3A_124 = arith.constant 0 : i32
        %dma_wait3A_125 = arith.constant 0 : i32
        %dma_wait3A_126 = tpu.memref_slice %arg3[%dma_wait3A_124, %dma_wait3A_125] : memref<30522x768xf32, #tpu.memory_space<hbm>> -> memref<30522x768xf32, #tpu.memory_space<hbm>>
        tpu.wait_indirect_dma semaphore(%arg11 : memref<!tpu.dma_semaphore, #tpu.memory_space<semaphore_mem>>) src(%dma_wait3A_126 : memref<30522x768xf32, #tpu.memory_space<hbm>>) dst(%arg7 : memref<40x768xf32, #tpu.memory_space<vmem>>)
        %sub3A = arith.constant 2 : i32
        %sub3A_127 = arith.subi %add3A_105, %sub3A : i32
        %mul3A_128 = arith.constant 40 : i32
        %mul3A_129 = arith.muli %sub3A_127, %mul3A_128 : i32
        %add3A_130 = arith.addi %mul3A_2, %mul3A_129 : i32
        %dma_start3A_131 = arith.constant 0 : i32
        %dma_start3A_132 = tpu.memref_slice %arg4[%add3A_130, %dma_start3A_131] : memref<204800x768xf32, #tpu.memory_space<hbm>> -> memref<40x768xf32, #tpu.memory_space<hbm>>
        %dma_start3A_133 = arith.constant 0 : i32
        %dma_start3A_134 = tpu.memref_slice %arg4[%add3A_130, %dma_start3A_133] : memref<204800x768xf32, #tpu.memory_space<hbm>> -> memref<40x768xf32, #tpu.memory_space<hbm>>
        tpu.enqueue_dma source(%arg7 : memref<40x768xf32, #tpu.memory_space<vmem>>) target(%dma_start3A_134 : memref<40x768xf32, #tpu.memory_space<hbm>>) target_semaphore(%arg15 : memref<!tpu.dma_semaphore, #tpu.memory_space<semaphore_mem>>)
      } else {
      }
    }
    %scan3A_7 = arith.constant 40 : i32
    %dma_wait3A = arith.constant 0 : i32
    %dma_wait3A_8 = tpu.memref_slice %arg5[%dma_wait3A] : memref<6400xi32, #tpu.memory_space<vmem>> -> memref<40xi32, #tpu.memory_space<vmem>>
    %dma_wait3A_9 = arith.constant 0 : i32
    %dma_wait3A_10 = arith.constant 0 : i32
    %dma_wait3A_11 = tpu.memref_slice %arg3[%dma_wait3A_9, %dma_wait3A_10] : memref<30522x768xf32, #tpu.memory_space<hbm>> -> memref<30522x768xf32, #tpu.memory_space<hbm>>
    tpu.wait_indirect_dma semaphore(%arg12 : memref<!tpu.dma_semaphore, #tpu.memory_space<semaphore_mem>>) src(%dma_wait3A_11 : memref<30522x768xf32, #tpu.memory_space<hbm>>) dst(%arg8 : memref<40x768xf32, #tpu.memory_space<vmem>>)
    %add3A_12 = arith.constant 6320 : i32
    %add3A_13 = arith.addi %mul3A_2, %add3A_12 : i32
    %dma_start3A = arith.constant 0 : i32
    %dma_start3A_14 = tpu.memref_slice %arg4[%add3A_13, %dma_start3A] : memref<204800x768xf32, #tpu.memory_space<hbm>> -> memref<40x768xf32, #tpu.memory_space<hbm>>
    %dma_start3A_15 = arith.constant 0 : i32
    %dma_start3A_16 = tpu.memref_slice %arg4[%add3A_13, %dma_start3A_15] : memref<204800x768xf32, #tpu.memory_space<hbm>> -> memref<40x768xf32, #tpu.memory_space<hbm>>
    tpu.enqueue_dma source(%arg8 : memref<40x768xf32, #tpu.memory_space<vmem>>) target(%dma_start3A_16 : memref<40x768xf32, #tpu.memory_space<hbm>>) target_semaphore(%arg16 : memref<!tpu.dma_semaphore, #tpu.memory_space<semaphore_mem>>)
    %dma_wait3A_17 = arith.constant 0 : i32
    %dma_wait3A_18 = tpu.memref_slice %arg5[%dma_wait3A_17] : memref<6400xi32, #tpu.memory_space<vmem>> -> memref<40xi32, #tpu.memory_space<vmem>>
    %dma_wait3A_19 = arith.constant 0 : i32
    %dma_wait3A_20 = arith.constant 0 : i32
    %dma_wait3A_21 = tpu.memref_slice %arg3[%dma_wait3A_19, %dma_wait3A_20] : memref<30522x768xf32, #tpu.memory_space<hbm>> -> memref<30522x768xf32, #tpu.memory_space<hbm>>
    tpu.wait_indirect_dma semaphore(%arg13 : memref<!tpu.dma_semaphore, #tpu.memory_space<semaphore_mem>>) src(%dma_wait3A_21 : memref<30522x768xf32, #tpu.memory_space<hbm>>) dst(%arg9 : memref<40x768xf32, #tpu.memory_space<vmem>>)
    %add3A_22 = arith.constant 6360 : i32
    %add3A_23 = arith.addi %mul3A_2, %add3A_22 : i32
    %dma_start3A_24 = arith.constant 0 : i32
    %dma_start3A_25 = tpu.memref_slice %arg4[%add3A_23, %dma_start3A_24] : memref<204800x768xf32, #tpu.memory_space<hbm>> -> memref<40x768xf32, #tpu.memory_space<hbm>>
    %dma_start3A_26 = arith.constant 0 : i32
    %dma_start3A_27 = tpu.memref_slice %arg4[%add3A_23, %dma_start3A_26] : memref<204800x768xf32, #tpu.memory_space<hbm>> -> memref<40x768xf32, #tpu.memory_space<hbm>>
    tpu.enqueue_dma source(%arg9 : memref<40x768xf32, #tpu.memory_space<vmem>>) target(%dma_start3A_27 : memref<40x768xf32, #tpu.memory_space<hbm>>) target_semaphore(%arg17 : memref<!tpu.dma_semaphore, #tpu.memory_space<semaphore_mem>>)
    %dma_wait3A_28 = arith.constant 0 : i32
    %dma_wait3A_29 = tpu.memref_slice %arg4[%mul3A_2, %dma_wait3A_28] : memref<204800x768xf32, #tpu.memory_space<hbm>> -> memref<40x768xf32, #tpu.memory_space<hbm>>
    %dma_wait3A_30 = arith.constant 0 : i32
    %dma_wait3A_31 = tpu.memref_slice %arg4[%mul3A_2, %dma_wait3A_30] : memref<204800x768xf32, #tpu.memory_space<hbm>> -> memref<40x768xf32, #tpu.memory_space<hbm>>
    tpu.wait_dma2 semaphore(%arg14 : memref<!tpu.dma_semaphore, #tpu.memory_space<semaphore_mem>>) src(%arg6 : memref<40x768xf32, #tpu.memory_space<vmem>>) dst(%dma_wait3A_31 : memref<40x768xf32, #tpu.memory_space<hbm>>)
    %dma_wait3A_32 = arith.constant 0 : i32
    %dma_wait3A_33 = tpu.memref_slice %arg4[%mul3A_2, %dma_wait3A_32] : memref<204800x768xf32, #tpu.memory_space<hbm>> -> memref<40x768xf32, #tpu.memory_space<hbm>>
    %dma_wait3A_34 = arith.constant 0 : i32
    %dma_wait3A_35 = tpu.memref_slice %arg4[%mul3A_2, %dma_wait3A_34] : memref<204800x768xf32, #tpu.memory_space<hbm>> -> memref<40x768xf32, #tpu.memory_space<hbm>>
    tpu.wait_dma2 semaphore(%arg15 : memref<!tpu.dma_semaphore, #tpu.memory_space<semaphore_mem>>) src(%arg7 : memref<40x768xf32, #tpu.memory_space<vmem>>) dst(%dma_wait3A_35 : memref<40x768xf32, #tpu.memory_space<hbm>>)
    %dma_wait3A_36 = arith.constant 0 : i32
    %dma_wait3A_37 = tpu.memref_slice %arg4[%mul3A_2, %dma_wait3A_36] : memref<204800x768xf32, #tpu.memory_space<hbm>> -> memref<40x768xf32, #tpu.memory_space<hbm>>
    %dma_wait3A_38 = arith.constant 0 : i32
    %dma_wait3A_39 = tpu.memref_slice %arg4[%mul3A_2, %dma_wait3A_38] : memref<204800x768xf32, #tpu.memory_space<hbm>> -> memref<40x768xf32, #tpu.memory_space<hbm>>
    tpu.wait_dma2 semaphore(%arg16 : memref<!tpu.dma_semaphore, #tpu.memory_space<semaphore_mem>>) src(%arg8 : memref<40x768xf32, #tpu.memory_space<vmem>>) dst(%dma_wait3A_39 : memref<40x768xf32, #tpu.memory_space<hbm>>)
    %dma_wait3A_40 = arith.constant 0 : i32
    %dma_wait3A_41 = tpu.memref_slice %arg4[%mul3A_2, %dma_wait3A_40] : memref<204800x768xf32, #tpu.memory_space<hbm>> -> memref<40x768xf32, #tpu.memory_space<hbm>>
    %dma_wait3A_42 = arith.constant 0 : i32
    %dma_wait3A_43 = tpu.memref_slice %arg4[%mul3A_2, %dma_wait3A_42] : memref<204800x768xf32, #tpu.memory_space<hbm>> -> memref<40x768xf32, #tpu.memory_space<hbm>>
    tpu.wait_dma2 semaphore(%arg17 : memref<!tpu.dma_semaphore, #tpu.memory_space<semaphore_mem>>) src(%arg9 : memref<40x768xf32, #tpu.memory_space<vmem>>) dst(%dma_wait3A_43 : memref<40x768xf32, #tpu.memory_space<hbm>>)
    return
  }
}

</mosaic_0001>

<sc_bundles>
// kernel: kernel.3.cloned.1.call-start
scs
__scs_entry_jumppad:
0x0: {  	(pc) =	sbr.rel $0x88, $3  }
0x1: {  	(tag) =	ssettag $0x0;
	lr =	simm.s32 $0x1  }
0x2: {  	[smem:$0x3F9F] =	sst lr;
	_ =	strace $0xD0000000  }
0x3: {  	_ = 	snop  }
0x4: {  	_ = 	snop  }
0x5: {  	_ = 	snop  }
0x6: {  	_ = 	snop  }
0x7: {  	_ = 	snop  }
__scs_overlays_trampoline_lowered:
0x8: {  	[smem:$0x3FAE] =	sst s0  }
0x9: {  	[smem:$0x3FAF] =	sst s1  }
0xa: {  	[smem:$0x3FB0] =	sst s2  }
0xb: {  	[smem:$0x3FB1] =	sst s3  }
0xc: {  	[smem:$0x3FB2] =	sst s4  }
0xd: {  	[smem:$0x3FB3] =	sst s5  }
0xe: {  	[smem:$0x3FB4] =	sst s6  }
0xf: {  	[smem:$0x3FB5] =	sst s7  }
0x10: {  	[smem:$0x3FB6] =	sst s8  }
0x11: {  	[smem:$0x3FB7] =	sst s9;
	s0 =	simm.s32 @!p0 $0x0  }
0x12: {  	s1 =	sld [smem:$0x3F9D];
	s0 =	simm.s32 @p0 $0x1  }
0x13: {  	[smem:$0x3FB8] =	sst s0;
	s0 =	simm.s32 @!p1 $0x0  }
0x14: {  	s2 =	sld [smem:$0x3F9C];
	s0 =	simm.s32 @p1 $0x1  }
0x15: {  	[smem:$0x3FB9] =	sst s0;
	s0 =	simm.s32 @!p2 $0x0  }
0x16: {  	s3 =	sld [smem:$0x3FDB];
	s0 =	simm.s32 @p2 $0x1  }
0x17: {  	s4 =	simm.s32 $0x1BF5;
	[smem:$0x3FBB] =	sst s0  }
0x18: {  	s0 =	sld [smem:$0x3F9E];
	_ =	swait.ge [sflag:s4], $0x0  }
0x19: {  	s7 =	sld [smem:$0x3F9F]  }
0x1a: {  	s8 =	sadd.s32 $0xFFFFE003, lr  }
0x1b: {  	s9 =	sadd.s32 $0xFFFFFEF7, lr;
	s5 =	simm.s32 $0xFFFFFFFF;
	p2 =	slt.u32 s8, $0xFFFFF086  }
0x1c: {  	p1 =	slt.u32 s9, $0xF7A;
	s5 =	simm.s32 @!p2 $0x0  }
0x1d: {  	s5 =	simm.s32 @p1 $0x1;
	p0 =	seq.s32 s7, s2  }
0x1e: {  	s7 =	smul.u32 @!p0 $0xF7A, s2;
	p2 =	seq.s32 @!p0 s5, $0x0  }
0x1f: {  	s9 =	smul.u32 $0xF7A, s1;
	s8 =	simm.s32 @!p0 $0x1BF5;
	p2 =	por !p2, p0  }
0x20: {  	[sflag:s8] =	ssyncset.s32 @!p0 $0xFFFFF086;
	s6 =	sadd.s32 @!p0 s3, s7;
	s7 =	simm.s32 @!p0 $0x108  }
0x21: {  	s3 =	sadd.s32 s3, s9;
	s6 =	sadd.s32 @!p0 $0x88, s6;
	s7 =	simm.s32 @p2 $0x1082  }
0x22: {  	[simem:s7], [sflag:s8] =	dma.local @!p0 [hbm:s6], $0xF7A  }
0x23: {  	s9 =	sor.u32 $0xD0000000, s2;
	s6 =	simm.s32 $0x108;
	_ =	swait.ge @!p0 [sflag:s8], $0x0  }
0x24: {  	s3 =	sadd.s32 $0x88, s3;
	s6 =	simm.s32 @!p1 $0x1082;
	[sflag:s4] =	ssyncset.s32 $0xFFFFF086  }
0x25: {  	[simem:s6], [sflag:s4] =	dma.local [hbm:s3], $0xF7A  }
0x26: {  	[smem:$0x3F9F] =	sst s1;
	(tag) =	ssettag s2;
	_ =	strace s9  }
0x27: {  	s1 =	sld [smem:$0x3FAF]  }
0x28: {  	s2 =	sld [smem:$0x3FB0]  }
0x29: {  	s4 =	sld [smem:$0x3FB2]  }
0x2a: {  	p0 =	seq.s32 s5, $0x0;
	s5 =	sld [smem:$0x3FB3]  }
0x2b: {  	s6 =	sld [smem:$0x3FB4]  }
0x2c: {  	s7 =	sld [smem:$0x3FB5]  }
0x2d: {  	s3 =	simm.s32 $0x108;
	s8 =	sld [smem:$0x3FB6]  }
0x2e: {  	s3 =	simm.s32 @!p0 $0x1082;
	s9 =	sld [smem:$0x3FB7]  }
0x2f: {  	lr =	sadd.s32 s0, s3;
	s0 =	sld [smem:$0x3FAE]  }
0x30: {  	s3 =	sld [smem:$0x3FB1]  }
0x31: {  	[smem:$0x3FBA] =	sst s10  }
0x32: {  	s10 =	sld [smem:$0x3FB8];
	_ =	sdelay $0x3  }
0x33: {  	p0 =	seq.s32 s10, $0x1;
	s10 =	sld [smem:$0x3FBA];
	_ =	sdelay $0x3  }
0x34: {  	[smem:$0x3FBA] =	sst s10  }
0x35: {  	s10 =	sld [smem:$0x3FB9];
	_ =	sdelay $0x3  }
0x36: {  	p1 =	seq.s32 s10, $0x1;
	s10 =	sld [smem:$0x3FBA];
	_ =	sdelay $0x3  }
0x37: {  	[smem:$0x3FBA] =	sst s10  }
0x38: {  	s10 =	sld [smem:$0x3FBB]  }
0x39: {  	_ = 	snop;
	(pc) =	sbr.ind lr, $3  }
0x3a: {  	_ = 	snop  }
0x3b: {  	_ = 	snop  }
0x3c: {  	p2 =	seq.s32 s10, $0x1;
	s10 =	sld [smem:$0x3FBA]  }
0x3d: {  	_ =	shalt  }
0x3e: {  	_ =	shalt  }
0x3f: {  	_ =	shalt  }
0x40: {  	_ =	shalt  }
0x41: {  	_ =	shalt  }
0x42: {  	_ =	shalt  }
0x43: {  	_ =	shalt  }
0x44: {  	_ =	shalt  }
0x45: {  	_ =	shalt  }
0x46: {  	_ =	shalt  }
0x47: {  	_ =	shalt  }
0x48: {  	_ =	shalt  }
0x49: {  	_ =	shalt  }
0x4a: {  	_ =	shalt  }
0x4b: {  	_ =	shalt  }
0x4c: {  	_ =	shalt  }
0x4d: {  	_ =	shalt  }
0x4e: {  	_ =	shalt  }
0x4f: {  	_ =	shalt  }
0x50: {  	_ =	shalt  }
0x51: {  	_ =	shalt  }
0x52: {  	_ =	shalt  }
0x53: {  	_ =	shalt  }
0x54: {  	_ =	shalt  }
0x55: {  	_ =	shalt  }
0x56: {  	_ =	shalt  }
0x57: {  	_ =	shalt  }
0x58: {  	_ =	shalt  }
0x59: {  	_ =	shalt  }
0x5a: {  	_ =	shalt  }
0x5b: {  	_ =	shalt  }
0x5c: {  	_ =	shalt  }
0x5d: {  	_ =	shalt  }
0x5e: {  	_ =	shalt  }
0x5f: {  	_ =	shalt  }
0x60: {  	_ =	shalt  }
0x61: {  	_ =	shalt  }
0x62: {  	_ =	shalt  }
0x63: {  	_ =	shalt  }
0x64: {  	_ =	shalt  }
0x65: {  	_ =	shalt  }
0x66: {  	_ =	shalt  }
0x67: {  	_ =	shalt  }
0x68: {  	_ =	shalt  }
0x69: {  	_ =	shalt  }
0x6a: {  	_ =	shalt  }
0x6b: {  	_ =	shalt  }
0x6c: {  	_ =	shalt  }
0x6d: {  	_ =	shalt  }
0x6e: {  	_ =	shalt  }
0x6f: {  	_ =	shalt  }
0x70: {  	_ =	shalt  }
0x71: {  	_ =	shalt  }
0x72: {  	_ =	shalt  }
0x73: {  	_ =	shalt  }
0x74: {  	_ =	shalt  }
0x75: {  	_ =	shalt  }
0x76: {  	_ =	shalt  }
0x77: {  	_ =	shalt  }
0x78: {  	_ =	shalt  }
0x79: {  	_ =	shalt  }
0x7a: {  	_ =	shalt  }
0x7b: {  	_ =	shalt  }
0x7c: {  	_ =	shalt  }
0x7d: {  	_ =	shalt  }
0x7e: {  	_ =	shalt  }
0x7f: {  	_ =	shalt  }
0x80: {  	_ =	shalt  }
0x81: {  	_ =	shalt  }
0x82: {  	_ =	shalt  }
0x83: {  	_ =	shalt  }
0x84: {  	_ =	shalt  }
0x85: {  	_ =	shalt  }
0x86: {  	_ =	shalt  }
0x87: {  	_ =	shalt  }
.Lfunc_end0:
.L_simem_size_0:
called_computation_lowered:
.L_overlay_start_0:
0x88: {  	s2 =	sld [smem:$0x3FD9]  }
0x89: {  	s3 =	sld [smem:$0x3FFE];
	_ =	sdelay $0x1  }
0x8a: {  	s1 =	srdreg.scid  }
0x8b: {  	s0 =	sand.u32 $0x1, s1  }
0x8c: {  	s17 =	sshll.u32 s0, $0xA;
	s2 =	sadd.s32 s3, s2  }
0x8d: {  	s2 =	sadd.s32 s2, s17  }
0x8e: {  	[smem:$0x3FC6] =	sst s2  }
0x8f: {  	_ = 	snop  }
0x90: {  	s2 =	sld [smem:$0x3FC8]  }
0x91: {  	s18 =	sld [smem:$0x3FD0];
	(tm) =	ssettm $0x1  }
0x92: {  	s4 =	sld [smem:$0x3FFB];
	_ =	sdelay $0x3  }
0x93: {  	_ =	strace s4  }
0x94: {  	s4 =	sld [smem:$0x3FFC];
	_ =	sdelay $0x3  }
0x95: {  	_ =	strace s4  }
0x96: {  	s4 =	sld [smem:$0x3FFD];
	_ =	sdelay $0x3  }
0x97: {  	_ =	strace s4  }
0x98: {  	_ =	strace $0x8FFFFFFF  }
0x99: {  	s19 =	sld [smem:$0x3FDB];
	_ =	sdelay $0x1  }
0x9a: {  	s5 =	simm.s32 $_scs_section_size  }
0x9b: {  	s6 =	simm.s32 $_size__tile_overlayer_lowered;
	s7 =	simm.s32 $_tile_overlayer_lowered  }
0x9c: {  	s22 =	simm.s32 $0x1BFF;
	s21 =	sshll.u32 s7, $0x1;
	s4 =	sadd.s32 s5, s19  }
0x9d: {  	s8 =	simm.s32 $0x0;
	s20 =	sshll.u32 s6, $0x1;
	s6 =	sadd.s32 s21, s4  }
0x9e: {  	[timem:s8], [sflag:s22] =	dma.local [hbm:s6], s20  }
0x9f: {  	_ =	swait.ge [sflag:s22], s20  }
0xa0: {  	s5 =	ssub.s32 $0x0, s20;
	[sflag:s22] =	ssyncset.done $0x0  }
0xa1: {  	[sflag:s22] =	ssyncadd.s32 s5;
	_ =	sdelay $0x1  }
0xa2: {  	s23 =	simm.s32 $0x1B8B  }
0xa3: {  	_ =	swait.ge [sflag:s23], $0x1  }
0xa4: {  	[sflag:s23] =	ssyncset.done $0x0  }
0xa5: {  	s25 =	simm.s32 $0x1B8E;
	s24 =	sld [smem:$0x3FFE];
	[sflag:s23] =	ssyncadd.s32 $0xFFFFFFFF  }
0xa6: {  	s26 =	simm.s32 $execute0_lowered;
	[smem:$0x3FD2] =	sst s25  }
0xa7: {  	s6 =	sshll.u32 s26, $0x1;
	_ =	strace $0x80000046;
	[dreg:$0x1] =	wrdreg $0xFFFFFFFF  }
0xa8: {  	s28 =	simm.s32 $_size_execute0_lowered;
	s4 =	sadd.s32 s4, s6;
	[dreg:$0x0] =	wrdreg $0x0  }
0xa9: {  	s6 =	sshll.u32 s28, $0x1;
	[dreg:$0x2] =	wrdreg s4  }
0xaa: {  	[dreg:$0x3] =	wrdreg s6  }
0xab: {  	[dreg:$0x4] =	wrdreg $0xC0  }
0xac: {  	_ =	task [dreg:s8], $0x5FFFF  }
0xad: {  	[dreg:$0x1] =	wrdreg $0xFFFFFFFF  }
0xae: {  	[dreg:$0x0] =	wrdreg $0x60  }
0xaf: {  	[dreg:$0x2] =	wrdreg s24  }
0xb0: {  	[dreg:$0x3] =	wrdreg s2  }
0xb1: {  	[dreg:$0x4] =	wrdreg s18  }
0xb2: {  	[dreg:$0x5] =	wrdreg $0x9  }
0xb3: {  	_ =	task.clear_ibuf [dreg:s8], $0x6FFFF;
	_ =	strace $0x90000046  }
0xb4: {  	s29 =	simm.s32 $0x9;
	_ =	strace $0x80000048  }
0xb5: {  	_ =	swait.ge [sflag:s29], $0x1  }
0xb6: {  	[sflag:s29] =	ssyncadd.s32 $0xFFFFFFFF  }
0xb7: {  	_ =	strace $0x90000048  }
0xb8: {  	_ =	sfence  }
0xb9: {  	s30 =	sld [smem:$0x0];
	_ =	sdelay $0x2  }
0xba: {  	s31 =	sshll.u32 s1, $0xD;
	s1 =	sshrl.u32 s1, $0x2  }
0xbb: {  	s3 =	sand.u32 $0x4000, s31;
	s1 =	sadd.s32 s1, s30  }
0xbc: {  	s0 =	sor.u32 s3, s0;
	s1 =	sshll.u32 s1, $0x11  }
0xbd: {  	s0 =	sor.u32 s1, s0  }
0xbe: {  	s0 =	sadd.s32 $0x8F2B, s0  }
0xbf: {  	[sflag:s0] =	ssyncadd.remote.s32 $0x1  }
0xc0: {  	_ =	sfence.sel $0xFFFF  }
0xc1: {  	[dreg:$0x0] =	wrdreg $0xFFFFFFFF;
	(pc) =	sbr.abs _section_cstart, $3  }
0xc2: {  	[dreg:$0x1] =	wrdreg $0xFFFFFFFF  }
0xc3: {  	_ =	task.clear_ibuf [dreg:s8], $0x2FFFF;
	_ =	strace $0x9FFFFFFF  }
0xc4: {  	(tm) =	ssettm $0x7FFFFFFF  }
0xc5: {  	_ =	shalt  }
tec
execute0_lowered:
.L_overlay_start_1:
0x0: {  	(tag) =	ssettag $0x1  }
0x1: {  	s0 =	rddreg [dreg:$0x0]  }
0x2: {  	s1 =	rddreg [dreg:$0x1]  }
0x3: {  	s2 =	rddreg [dreg:$0x2];
	s3 =	simm.s32 $0x0  }
0x4: {  	s4 =	simm.s32 $0x2100;
	[smem:$0x7FF] =	sst s3  }
0x5: {  	s13 =	simm.s32 $0x2900;
	_ =	strace $0x80000047;
	[dreg:$0x4] =	wrdreg s4  }
0x6: {  	s14 =	simm.s32 $0x3100;
	[dreg:$0x5] =	wrdreg s13  }
0x7: {  	s15 =	simm.s32 $0x3900;
	[dreg:$0x6] =	wrdreg s14  }
0x8: {  	s16 =	simm.s32 $0x4100;
	[dreg:$0x7] =	wrdreg s15  }
0x9: {  	s17 =	simm.s32 $0x4900;
	[dreg:$0x8] =	wrdreg s16  }
0xa: {  	s18 =	simm.s32 $0x5100;
	[dreg:$0x9] =	wrdreg s17  }
0xb: {  	s19 =	simm.s32 $0x5900;
	[dreg:$0xa] =	wrdreg s18  }
0xc: {  	s20 =	simm.s32 $0x6100;
	[dreg:$0xb] =	wrdreg s19  }
0xd: {  	s21 =	simm.s32 $0x6900;
	[dreg:$0xc] =	wrdreg s20  }
0xe: {  	s22 =	simm.s32 $0x7100;
	[dreg:$0xd] =	wrdreg s21  }
0xf: {  	s23 =	simm.s32 $0x7900;
	[dreg:$0xe] =	wrdreg s22  }
0x10: {  	s24 =	simm.s32 $0x8100;
	[dreg:$0xf] =	wrdreg s23  }
0x11: {  	s25 =	simm.s32 $0x8900;
	[dreg:$0x10] =	wrdreg s24  }
0x12: {  	s26 =	simm.s32 $0x9900;
	[dreg:$0x11] =	wrdreg s25  }
0x13: {  	s29 =	simm.s32 $0xA100;
	[dreg:$0x12] =	wrdreg s26  }
0x14: {  	s30 =	simm.s32 $0xA900;
	[dreg:$0x13] =	wrdreg s29  }
0x15: {  	s31 =	simm.s32 $0xB100;
	[dreg:$0x14] =	wrdreg s30  }
0x16: {  	s6 =	simm.s32 $0xB900;
	[dreg:$0x15] =	wrdreg s31  }
0x17: {  	s7 =	simm.s32 $0xC100;
	[dreg:$0x16] =	wrdreg s6  }
0x18: {  	s8 =	simm.s32 $0xC900;
	[dreg:$0x17] =	wrdreg s7  }
0x19: {  	s9 =	simm.s32 $0xD100;
	[dreg:$0x18] =	wrdreg s8  }
0x1a: {  	s10 =	simm.s32 $0xD900;
	[dreg:$0x19] =	wrdreg s9  }
0x1b: {  	s12 =	simm.s32 $0xE100;
	[dreg:$0x1a] =	wrdreg s10  }
0x1c: {  	[dreg:$0x1b] =	wrdreg s12;
	s13 =	simm.s32 $0xE900  }
0x1d: {  	s14 =	simm.s32 $0xF100;
	[dreg:$0x1c] =	wrdreg s13  }
0x1e: {  	s16 =	simm.s32 $0xF900;
	[dreg:$0x1d] =	wrdreg s14  }
0x1f: {  	s17 =	simm.s32 $0x10100;
	[dreg:$0x1e] =	wrdreg s16  }
0x20: {  	s18 =	simm.s32 $0x11100;
	[dreg:$0x1f] =	wrdreg s17  }
0x21: {  	s19 =	simm.s32 $0x11900;
	[smem:$0x7E0] =	sst s18  }
0x22: {  	s20 =	simm.s32 $0x12100;
	[smem:$0x7E1] =	sst s19  }
0x23: {  	s22 =	simm.s32 $0x12900;
	[smem:$0x7E2] =	sst s20  }
0x24: {  	s23 =	simm.s32 $0x13100;
	[smem:$0x7E3] =	sst s22  }
0x25: {  	s5 =	srdreg.scid;
	s24 =	simm.s32 $0x13900;
	[smem:$0x7E4] =	sst s23  }
0x26: {  	s11 =	stileid.u32;
	s25 =	simm.s32 $0x14100;
	[smem:$0x7E5] =	sst s24  }
0x27: {  	s28 =	simm.s32 $0x0;
	s26 =	simm.s32 $0x14900;
	[smem:$0x7E6] =	sst s25  }
0x28: {  	s5 =	sand.u32 $0x1, s5;
	s30 =	simm.s32 $0x15100;
	[smem:$0x7E7] =	sst s26  }
0x29: {  	s6 =	sshll.u32 s11, $0x1;
	s31 =	simm.s32 $0x15900;
	[smem:$0x7E9] =	sst s30  }
0x2a: {  	s15 =	ssub.s32 $0x2, s5;
	[smem:$0x7EB] =	sst s31;
	s13 =	simm.s32 $0x16900  }
0x2b: {  	s12 =	smul.u32 $0x3200, s11;
	s14 =	simm.s32 $0x17100;
	[smem:$0x7ED] =	sst s13  }
0x2c: {  	s6 =	sor.u32 s5, s6;
	s16 =	simm.s32 $0x18900;
	[smem:$0x7EE] =	sst s14  }
0x2d: {  	s9 =	sshrl.u32 s15, $0x1;
	s17 =	simm.s32 $0x19100;
	[smem:$0x7F0] =	sst s16  }
0x2e: {  	s5 =	smul.u32 $0x1900, s5;
	s18 =	simm.s32 $0x19900;
	[smem:$0x7F1] =	sst s17  }
0x2f: {  	s19 =	simm.s32 $0x1A100;
	s20 =	simm.s32 $0x1A900;
	[smem:$0x7F2] =	sst s18  }
0x30: {  	s22 =	simm.s32 $0x1B900;
	s23 =	simm.s32 $0x1C100;
	[smem:$0x7F3] =	sst s19  }
0x31: {  	s24 =	simm.s32 $0x1C900;
	s25 =	simm.s32 $0x1D100;
	[smem:$0x7F4] =	sst s20  }
0x32: {  	s26 =	simm.s32 $0x1D900;
	s30 =	simm.s32 $0x1E900;
	[smem:$0x7F6] =	sst s22  }
0x33: {  	s31 =	simm.s32 $0x1F100;
	s8 =	smul.u32 $0x1900, s6;
	[smem:$0x7F7] =	sst s23  }
0x34: {  	s10 =	ssub.s32 s15, s9;
	s6 =	sadd.s32 $0x100, s1;
	[smem:$0x7F8] =	sst s24  }
0x35: {  	s9 =	simm.s32 $0x16100;
	s15 =	simm.s32 $0x17900;
	[smem:$0x7F9] =	sst s25  }
0x36: {  	s14 =	simm.s32 $0x9;
	s16 =	simm.s32 $0x9100;
	[smem:$0x7FA] =	sst s26  }
0x37: {  	s17 =	simm.s32 $0x10900;
	s18 =	simm.s32 $0x1;
	[smem:$0x7FC] =	sst s30  }
0x38: {  	s19 =	simm.s32 $0x18100;
	[smem:$0x7FD] =	sst s31;
	s20 =	simm.s32 $0x2  }
0x39: {  	s22 =	simm.s32 $0x4;
	s23 =	simm.s32 $0x5;
	s24 =	simm.s32 $0x6  }
0x3a: {  	s25 =	simm.s32 $0x7;
	s26 =	simm.s32 $0x8;
	[smem:$0x7EC] =	sst s9  }
0x3b: {  	s10 =	smax.u32 s10, $0x1;
	s11 =	sadd.s32 s5, s12;
	s7 =	sshrl.u32 s8, $0x3  }
0x3c: {  	[smem:$0x7EF] =	sst s15;
	s15 =	simm.s32 $0x1900;
	s21 =	smul.u32 $0x300, s7  }
0x3d: {  	s8 =	sadd.s32 $0x18D8, s8;
	s5 =	sshrl.u32 s11, $0x3;
	s0 =	sadd.s32 s7, s0  }
0x3e: {  	s7 =	sadd.s32 $0x200, s1;
	s8 =	sshrl.u32 s8, $0x3;
	s4 =	sadd.s32 s2, s21  }
0x3f: {  	s5 =	smul.u32 $0x300, s5;
	s0 =	sadd.s32 $0x400, s0;
	s4 =	sadd.s32 $0x94200, s4  }
0x40: {  	s29 =	smul.u32 $0x300, s8;
	[smem:$0x7E8] =	sst s4;
	s4 =	sor.u32 $0x28, s11  }
0x41: {  	[smem:$0x7DF] =	sst s0;
	s21 =	simm.s32 $0x1B100;
	s4 =	sshrl.u32 s4, $0x3  }
0x42: {  	v2 =	vlaneseq.u32;
	s8 =	sadd.s32 s2, s29;
	[smem:$0x7F5] =	sst s21;
	s4 =	smul.u32 $0x300, s4  }
0x43: {  	vm0 =	vmmov $0xffff;
	v1 =	vshrl.u32 v2, $0x3;
	s13 =	sadd.s32 s5, s2;
	s29 =	simm.s32 $0x1E100;
	[smem:$0x7EA] =	sst s8  }
0x44: {  	v0 =	vand.u32 $0x7, v2;
	v2 =	vor.u32 $0x8, v2;
	v1 =	vmul.u32 $0x8, v1;
	s21 =	simm.s32 $0x3;
	[smem:$0x7FB] =	sst s29;
	s12 =	sadd.s32 s4, s2  }
.LBB2_1:
0x45: {  	s0 =	sld [smem:$0x7DF];
	_ =	sdelay $0x2  }
0x46: {  	[tilespmem:s3], [sflag:$0x9] =	stream.linear.gather [hbm4b:s0+s3], $0x1900, $0x38;
	[tilespmem:$0x1F900] =	vst v63  }
0x47: {  	_ =	swait.ge [sflag:s14], $0x1900  }
0x48: {  	s29 =	simm.s32 $0x50;
	s30 =	smov.u32 s13;
	[sflag:s14] =	ssyncset.done $0x0  }
0x49: {  	s31 =	smov.u32 s12;
	s0 =	simm.s32 $0x0;
	[sflag:s14] =	ssyncadd.s32 $0xFFFFE700  }
.LBB2_2:
0x4a: {  	p0 =	seq.s32 s0, $0x0  }
0x4b: {  	s4 =	simm.s32 @!p0 $0x5  }
0x4c: {  	_ =	swait.ge @!p0 [sflag:s4], $0x7800  }
0x4d: {  	[sflag:s4] =	ssyncset.done @!p0 $0x0  }
0x4e: {  	[sflag:s4] =	ssyncadd.s32 @!p0 $0xFFFF8800  }
0x4f: {  	v3 =	vld [tilespmem:s29+$0xFFFFFFB0];
	_ =	sdelay $0x4  }
0x50: {  	v4 =	vshrl.u32 v3, $0x3  }
0x51: {  	v4 =	vmul.u32 $0x30, v4  }
0x52: {  	v3 =	vand.u32 $0x7, v3  }
0x53: {  	v3 =	vor.u32 v3, v4  }
0x54: {  	v4 =	vperm.xlane v3, v0;
	_ =	sdelay $0x1  }
0x55: {  	v4 =	vadd.s32 v1, v4;
	_ =	sdelay $0x3  }
0x56: {  	v3 =	vperm.xlane v3, v2  }
0x57: {  	[tilespmem:s15], [sflag:$0x1] =	stream.indirect_vreg.gather [hbm4b:s1+s3], $0x80, v4, vm0, $0xb8;
	[tilespmem:$0x1F900] =	vst v63  }
0x58: {  	s8 =	rddreg [dreg:$0x4];
	v3 =	vadd.s32 v1, v3  }
0x59: {  	[tilespmem:s8], [sflag:$0x1] =	stream.indirect_vreg.gather [hbm4b:s6+s3], $0x80, v4, vm0, $0xb8;
	[tilespmem:$0x1F900] =	vst v63  }
0x5a: {  	s5 =	rddreg [dreg:$0x5]  }
0x5b: {  	[tilespmem:s5], [sflag:$0x1] =	stream.indirect_vreg.gather [hbm4b:s7+s3], $0x80, v4, vm0, $0xb8;
	[tilespmem:$0x1F900] =	vst v63  }
0x5c: {  	s9 =	rddreg [dreg:$0x6]  }
0x5d: {  	[tilespmem:s9], [sflag:$0x1] =	stream.indirect_vreg.gather [hbm4b:s1+s3], $0x80, v3, vm0, $0xb8;
	[tilespmem:$0x1F900] =	vst v63  }
0x5e: {  	s8 =	rddreg [dreg:$0x7]  }
0x5f: {  	[tilespmem:s8], [sflag:$0x1] =	stream.indirect_vreg.gather [hbm4b:s6+s3], $0x80, v3, vm0, $0xb8;
	[tilespmem:$0x1F900] =	vst v63  }
0x60: {  	s9 =	rddreg [dreg:$0x8]  }
0x61: {  	[tilespmem:s9], [sflag:$0x1] =	stream.indirect_vreg.gather [hbm4b:s7+s3], $0x80, v3, vm0, $0xb8;
	[tilespmem:$0x1F900] =	vst v63  }
0x62: {  	v3 =	vld [tilespmem:s29+$0xFFFFFFC0];
	_ =	sdelay $0x4  }
0x63: {  	v53 =	vshrl.u32 v3, $0x3  }
0x64: {  	v4 =	vmul.u32 $0x30, v53  }
0x65: {  	v3 =	vand.u32 $0x7, v3  }
0x66: {  	v3 =	vor.u32 v3, v4  }
0x67: {  	v4 =	vperm.xlane v3, v0;
	_ =	sdelay $0x1  }
0x68: {  	v4 =	vadd.s32 v1, v4;
	_ =	sdelay $0x3  }
0x69: {  	s8 =	rddreg [dreg:$0x9];
	v3 =	vperm.xlane v3, v2  }
0x6a: {  	[tilespmem:s8], [sflag:$0x1] =	stream.indirect_vreg.gather [hbm4b:s1+s3], $0x80, v4, vm0, $0xb8;
	[tilespmem:$0x1F900] =	vst v63  }
0x6b: {  	s9 =	rddreg [dreg:$0xa];
	v3 =	vadd.s32 v1, v3  }
0x6c: {  	[tilespmem:s9], [sflag:$0x1] =	stream.indirect_vreg.gather [hbm4b:s6+s3], $0x80, v4, vm0, $0xb8;
	[tilespmem:$0x1F900] =	vst v63  }
0x6d: {  	s8 =	rddreg [dreg:$0xb]  }
0x6e: {  	[tilespmem:s8], [sflag:$0x1] =	stream.indirect_vreg.gather [hbm4b:s7+s3], $0x80, v4, vm0, $0xb8;
	[tilespmem:$0x1F900] =	vst v63  }
0x6f: {  	s9 =	rddreg [dreg:$0xc]  }
0x70: {  	[tilespmem:s9], [sflag:$0x1] =	stream.indirect_vreg.gather [hbm4b:s1+s3], $0x80, v3, vm0, $0xb8;
	[tilespmem:$0x1F900] =	vst v63  }
0x71: {  	s8 =	rddreg [dreg:$0xd]  }
0x72: {  	[tilespmem:s8], [sflag:$0x1] =	stream.indirect_vreg.gather [hbm4b:s6+s3], $0x80, v3, vm0, $0xb8;
	[tilespmem:$0x1F900] =	vst v63  }
0x73: {  	s9 =	rddreg [dreg:$0xe]  }
0x74: {  	[tilespmem:s9], [sflag:$0x1] =	stream.indirect_vreg.gather [hbm4b:s7+s3], $0x80, v3, vm0, $0xb8;
	[tilespmem:$0x1F900] =	vst v63  }
0x75: {  	v3 =	vld.msk [tilespmem:s29+$0xFFFFFFD0], $0xff;
	_ =	sdelay $0x4  }
0x76: {  	v54 =	vshrl.u32 v3, $0x3  }
0x77: {  	v4 =	vmul.u32 $0x30, v54  }
0x78: {  	v3 =	vand.u32 $0x7, v3  }
0x79: {  	v3 =	vor.u32 v3, v4  }
0x7a: {  	v3 =	vperm.xlane v3, v0;
	_ =	sdelay $0x1  }
0x7b: {  	v3 =	vadd.s32 v1, v3;
	_ =	sdelay $0x3  }
0x7c: {  	s5 =	rddreg [dreg:$0xf]  }
0x7d: {  	[tilespmem:s5], [sflag:$0x1] =	stream.indirect_vreg.gather [hbm4b:s1+s3], $0x80, v3, vm0, $0xb8;
	[tilespmem:$0x1F900] =	vst v63  }
0x7e: {  	s4 =	sadd.s32 @!p0 s0, s11;
	s8 =	rddreg [dreg:$0x10]  }
0x7f: {  	[tilespmem:s8], [sflag:$0x1] =	stream.indirect_vreg.gather [hbm4b:s6+s3], $0x80, v3, vm0, $0xb8;
	[tilespmem:$0x1F900] =	vst v63  }
0x80: {  	s8 =	sadd.s32 @!p0 $0xFFFFFFB0, s4  }
0x81: {  	s9 =	rddreg [dreg:$0x11];
	s5 =	simm.s32 @!p0 $0x3;
	s8 =	sshrl.u32 @!p0 s8, $0x3  }
0x82: {  	[tilespmem:s9], [sflag:$0x1] =	stream.indirect_vreg.gather [hbm4b:s7+s3], $0x80, v3, vm0, $0xb8;
	[tilespmem:$0x1F900] =	vst v63  }
0x83: {  	s8 =	smul.u32 @!p0 $0x300, s8;
	_ =	swait.ge @!p0 [sflag:s5], $0x7800  }
0x84: {  	s9 =	simm.s32 @!p0 $0x10900;
	[sflag:s5] =	ssyncset.done @!p0 $0x0  }
0x85: {  	s8 =	sadd.s32 @!p0 s2, s8;
	[sflag:s5] =	ssyncadd.s32 @!p0 $0xFFFF8800;
	s5 =	simm.s32 @!p0 $0x0  }
0x86: {  	[hbm4b:s8+s5] =	stream.linear.scatter @!p0 [tilespmem:s9], [sflag:$0x7], $0x7800, $0x38;
	[tilespmem:$0x1F900] =	vst v63  }
0x87: {  	s8 =	simm.s32 @!p0 $0x6  }
0x88: {  	_ =	swait.ge @!p0 [sflag:s8], $0x7800  }
0x89: {  	[sflag:s8] =	ssyncset.done @!p0 $0x0  }
0x8a: {  	[sflag:s8] =	ssyncadd.s32 @!p0 $0xFFFF8800  }
0x8b: {  	v3 =	vld [tilespmem:s29+$0xFFFFFFD8];
	_ =	sdelay $0x4  }
0x8c: {  	v55 =	vshrl.u32 v3, $0x3  }
0x8d: {  	v4 =	vmul.u32 $0x30, v55  }
0x8e: {  	v3 =	vand.u32 $0x7, v3  }
0x8f: {  	v3 =	vor.u32 v3, v4  }
0x90: {  	v4 =	vperm.xlane v3, v0;
	_ =	sdelay $0x1  }
0x91: {  	v4 =	vadd.s32 v1, v4;
	_ =	sdelay $0x3  }
0x92: {  	v3 =	vperm.xlane v3, v2  }
0x93: {  	[tilespmem:s16], [sflag:$0x2] =	stream.indirect_vreg.gather [hbm4b:s1+s3], $0x80, v4, vm0, $0xb8;
	[tilespmem:$0x1F900] =	vst v63  }
0x94: {  	s8 =	rddreg [dreg:$0x12];
	v3 =	vadd.s32 v1, v3  }
0x95: {  	[tilespmem:s8], [sflag:$0x2] =	stream.indirect_vreg.gather [hbm4b:s6+s3], $0x80, v4, vm0, $0xb8;
	[tilespmem:$0x1F900] =	vst v63  }
0x96: {  	s9 =	rddreg [dreg:$0x13]  }
0x97: {  	[tilespmem:s9], [sflag:$0x2] =	stream.indirect_vreg.gather [hbm4b:s7+s3], $0x80, v4, vm0, $0xb8;
	[tilespmem:$0x1F900] =	vst v63  }
0x98: {  	s8 =	rddreg [dreg:$0x14]  }
0x99: {  	[tilespmem:s8], [sflag:$0x2] =	stream.indirect_vreg.gather [hbm4b:s1+s3], $0x80, v3, vm0, $0xb8;
	[tilespmem:$0x1F900] =	vst v63  }
0x9a: {  	s9 =	rddreg [dreg:$0x15]  }
0x9b: {  	[tilespmem:s9], [sflag:$0x2] =	stream.indirect_vreg.gather [hbm4b:s6+s3], $0x80, v3, vm0, $0xb8;
	[tilespmem:$0x1F900] =	vst v63  }
0x9c: {  	s8 =	rddreg [dreg:$0x16]  }
0x9d: {  	[tilespmem:s8], [sflag:$0x2] =	stream.indirect_vreg.gather [hbm4b:s7+s3], $0x80, v3, vm0, $0xb8;
	[tilespmem:$0x1F900] =	vst v63  }
0x9e: {  	v3 =	vld [tilespmem:s29+$0xFFFFFFE8];
	_ =	sdelay $0x4  }
0x9f: {  	v56 =	vshrl.u32 v3, $0x3  }
0xa0: {  	v4 =	vmul.u32 $0x30, v56  }
0xa1: {  	v3 =	vand.u32 $0x7, v3  }
0xa2: {  	v3 =	vor.u32 v3, v4  }
0xa3: {  	v4 =	vperm.xlane v3, v0;
	_ =	sdelay $0x1  }
0xa4: {  	v4 =	vadd.s32 v1, v4;
	_ =	sdelay $0x3  }
0xa5: {  	s8 =	rddreg [dreg:$0x17];
	v3 =	vperm.xlane v3, v2  }
0xa6: {  	[tilespmem:s8], [sflag:$0x2] =	stream.indirect_vreg.gather [hbm4b:s1+s3], $0x80, v4, vm0, $0xb8;
	[tilespmem:$0x1F900] =	vst v63  }
0xa7: {  	s9 =	rddreg [dreg:$0x18];
	v3 =	vadd.s32 v1, v3  }
0xa8: {  	[tilespmem:s9], [sflag:$0x2] =	stream.indirect_vreg.gather [hbm4b:s6+s3], $0x80, v4, vm0, $0xb8;
	[tilespmem:$0x1F900] =	vst v63  }
0xa9: {  	s8 =	rddreg [dreg:$0x19]  }
0xaa: {  	[tilespmem:s8], [sflag:$0x2] =	stream.indirect_vreg.gather [hbm4b:s7+s3], $0x80, v4, vm0, $0xb8;
	[tilespmem:$0x1F900] =	vst v63  }
0xab: {  	s9 =	rddreg [dreg:$0x1a]  }
0xac: {  	[tilespmem:s9], [sflag:$0x2] =	stream.indirect_vreg.gather [hbm4b:s1+s3], $0x80, v3, vm0, $0xb8;
	[tilespmem:$0x1F900] =	vst v63  }
0xad: {  	s8 =	rddreg [dreg:$0x1b]  }
0xae: {  	[tilespmem:s8], [sflag:$0x2] =	stream.indirect_vreg.gather [hbm4b:s6+s3], $0x80, v3, vm0, $0xb8;
	[tilespmem:$0x1F900] =	vst v63  }
0xaf: {  	s9 =	rddreg [dreg:$0x1c]  }
0xb0: {  	[tilespmem:s9], [sflag:$0x2] =	stream.indirect_vreg.gather [hbm4b:s7+s3], $0x80, v3, vm0, $0xb8;
	[tilespmem:$0x1F900] =	vst v63  }
0xb1: {  	v3 =	vld.msk [tilespmem:s29+$0xFFFFFFF8], $0xff;
	_ =	sdelay $0x4  }
0xb2: {  	v57 =	vshrl.u32 v3, $0x3  }
0xb3: {  	v4 =	vmul.u32 $0x30, v57  }
0xb4: {  	v3 =	vand.u32 $0x7, v3  }
0xb5: {  	v3 =	vor.u32 v3, v4  }
0xb6: {  	v3 =	vperm.xlane v3, v0;
	_ =	sdelay $0x1  }
0xb7: {  	v3 =	vadd.s32 v1, v3;
	_ =	sdelay $0x3  }
0xb8: {  	s8 =	rddreg [dreg:$0x1d]  }
0xb9: {  	[tilespmem:s8], [sflag:$0x2] =	stream.indirect_vreg.gather [hbm4b:s1+s3], $0x80, v3, vm0, $0xb8;
	[tilespmem:$0x1F900] =	vst v63  }
0xba: {  	s9 =	rddreg [dreg:$0x1e]  }
0xbb: {  	[tilespmem:s9], [sflag:$0x2] =	stream.indirect_vreg.gather [hbm4b:s6+s3], $0x80, v3, vm0, $0xb8;
	[tilespmem:$0x1F900] =	vst v63  }
0xbc: {  	s4 =	sadd.s32 @!p0 $0xFFFFFFD8, s4;
	s8 =	rddreg [dreg:$0x1f]  }
0xbd: {  	[tilespmem:s8], [sflag:$0x2] =	stream.indirect_vreg.gather [hbm4b:s7+s3], $0x80, v3, vm0, $0xb8;
	[tilespmem:$0x1F900] =	vst v63  }
0xbe: {  	s4 =	sshrl.u32 @!p0 s4, $0x3;
	s8 =	simm.s32 @!p0 $0x4  }
0xbf: {  	s4 =	smul.u32 @!p0 $0x300, s4;
	_ =	swait.ge @!p0 [sflag:s8], $0x7800  }
0xc0: {  	[sflag:s8] =	ssyncset.done @!p0 $0x0  }
0xc1: {  	s4 =	sadd.s32 @!p0 s2, s4;
	[sflag:s8] =	ssyncadd.s32 @!p0 $0xFFFF8800;
	s8 =	simm.s32 @!p0 $0x18100  }
0xc2: {  	[hbm4b:s4+s5] =	stream.linear.scatter @!p0 [tilespmem:s8], [sflag:$0x8], $0x7800, $0x38;
	[tilespmem:$0x1F900] =	vst v63  }
0xc3: {  	s4 =	simm.s32 @!p0 $0x7  }
0xc4: {  	_ =	swait.ge @!p0 [sflag:s4], $0x7800  }
0xc5: {  	[sflag:s4] =	ssyncset.done @!p0 $0x0  }
0xc6: {  	[sflag:s4] =	ssyncadd.s32 @!p0 $0xFFFF8800  }
0xc7: {  	v3 =	vld [tilespmem:s29+$0x0];
	_ =	sdelay $0x4  }
0xc8: {  	v58 =	vshrl.u32 v3, $0x3  }
0xc9: {  	v4 =	vmul.u32 $0x30, v58  }
0xca: {  	v3 =	vand.u32 $0x7, v3  }
0xcb: {  	v3 =	vor.u32 v3, v4  }
0xcc: {  	v4 =	vperm.xlane v3, v0;
	_ =	sdelay $0x1  }
0xcd: {  	v4 =	vadd.s32 v1, v4;
	_ =	sdelay $0x3  }
0xce: {  	s5 =	sld [smem:$0x7E0];
	v3 =	vperm.xlane v3, v2  }
0xcf: {  	[tilespmem:s17], [sflag:$0x3] =	stream.indirect_vreg.gather [hbm4b:s1+s3], $0x80, v4, vm0, $0xb8;
	[tilespmem:$0x1F900] =	vst v63  }
0xd0: {  	s8 =	sld [smem:$0x7E1];
	v3 =	vadd.s32 v1, v3  }
0xd1: {  	[tilespmem:s5], [sflag:$0x3] =	stream.indirect_vreg.gather [hbm4b:s6+s3], $0x80, v4, vm0, $0xb8;
	[tilespmem:$0x1F900] =	vst v63  }
0xd2: {  	s9 =	sld [smem:$0x7E2]  }
0xd3: {  	[tilespmem:s8], [sflag:$0x3] =	stream.indirect_vreg.gather [hbm4b:s7+s3], $0x80, v4, vm0, $0xb8;
	[tilespmem:$0x1F900] =	vst v63  }
0xd4: {  	s8 =	sld [smem:$0x7E3]  }
0xd5: {  	[tilespmem:s9], [sflag:$0x3] =	stream.indirect_vreg.gather [hbm4b:s1+s3], $0x80, v3, vm0, $0xb8;
	[tilespmem:$0x1F900] =	vst v63  }
0xd6: {  	s9 =	sld [smem:$0x7E4]  }
0xd7: {  	[tilespmem:s8], [sflag:$0x3] =	stream.indirect_vreg.gather [hbm4b:s6+s3], $0x80, v3, vm0, $0xb8;
	[tilespmem:$0x1F900] =	vst v63  }
0xd8: {  	_ = 	snop  }
0xd9: {  	[tilespmem:s9], [sflag:$0x3] =	stream.indirect_vreg.gather [hbm4b:s7+s3], $0x80, v3, vm0, $0xb8;
	[tilespmem:$0x1F900] =	vst v63  }
0xda: {  	v3 =	vld [tilespmem:s29+$0x10];
	_ =	sdelay $0x4  }
0xdb: {  	v59 =	vshrl.u32 v3, $0x3  }
0xdc: {  	v4 =	vmul.u32 $0x30, v59  }
0xdd: {  	v3 =	vand.u32 $0x7, v3  }
0xde: {  	v3 =	vor.u32 v3, v4  }
0xdf: {  	v4 =	vperm.xlane v3, v0;
	_ =	sdelay $0x1  }
0xe0: {  	v4 =	vadd.s32 v1, v4;
	_ =	sdelay $0x1  }
0xe1: {  	s8 =	sld [smem:$0x7E5];
	_ =	sdelay $0x1  }
0xe2: {  	s9 =	sld [smem:$0x7E6];
	v3 =	vperm.xlane v3, v2  }
0xe3: {  	[tilespmem:s8], [sflag:$0x3] =	stream.indirect_vreg.gather [hbm4b:s1+s3], $0x80, v4, vm0, $0xb8;
	[tilespmem:$0x1F900] =	vst v63  }
0xe4: {  	v3 =	vadd.s32 v1, v3;
	s8 =	sld [smem:$0x7E7]  }
0xe5: {  	[tilespmem:s9], [sflag:$0x3] =	stream.indirect_vreg.gather [hbm4b:s6+s3], $0x80, v4, vm0, $0xb8;
	[tilespmem:$0x1F900] =	vst v63  }
0xe6: {  	s9 =	sld [smem:$0x7E9]  }
0xe7: {  	[tilespmem:s8], [sflag:$0x3] =	stream.indirect_vreg.gather [hbm4b:s7+s3], $0x80, v4, vm0, $0xb8;
	[tilespmem:$0x1F900] =	vst v63  }
0xe8: {  	s8 =	sld [smem:$0x7EB]  }
0xe9: {  	[tilespmem:s9], [sflag:$0x3] =	stream.indirect_vreg.gather [hbm4b:s1+s3], $0x80, v3, vm0, $0xb8;
	[tilespmem:$0x1F900] =	vst v63  }
0xea: {  	s9 =	sld [smem:$0x7EC]  }
0xeb: {  	[tilespmem:s8], [sflag:$0x3] =	stream.indirect_vreg.gather [hbm4b:s6+s3], $0x80, v3, vm0, $0xb8;
	[tilespmem:$0x1F900] =	vst v63  }
0xec: {  	_ = 	snop  }
0xed: {  	[tilespmem:s9], [sflag:$0x3] =	stream.indirect_vreg.gather [hbm4b:s7+s3], $0x80, v3, vm0, $0xb8;
	[tilespmem:$0x1F900] =	vst v63  }
0xee: {  	v3 =	vld.msk [tilespmem:s29+$0x20], $0xff;
	_ =	sdelay $0x4  }
0xef: {  	v60 =	vshrl.u32 v3, $0x3  }
0xf0: {  	v4 =	vmul.u32 $0x30, v60  }
0xf1: {  	v3 =	vand.u32 $0x7, v3  }
0xf2: {  	v3 =	vor.u32 v3, v4  }
0xf3: {  	v3 =	vperm.xlane v3, v0;
	_ =	sdelay $0x1  }
0xf4: {  	v3 =	vadd.s32 v1, v3;
	_ =	sdelay $0x1  }
0xf5: {  	s5 =	sld [smem:$0x7ED];
	_ =	sdelay $0x1  }
0xf6: {  	s8 =	sld [smem:$0x7EE]  }
0xf7: {  	[tilespmem:s5], [sflag:$0x3] =	stream.indirect_vreg.gather [hbm4b:s1+s3], $0x80, v3, vm0, $0xb8;
	[tilespmem:$0x1F900] =	vst v63  }
0xf8: {  	s9 =	sld [smem:$0x7EF]  }
0xf9: {  	[tilespmem:s8], [sflag:$0x3] =	stream.indirect_vreg.gather [hbm4b:s6+s3], $0x80, v3, vm0, $0xb8;
	[tilespmem:$0x1F900] =	vst v63  }
0xfa: {  	_ = 	snop  }
0xfb: {  	[tilespmem:s9], [sflag:$0x3] =	stream.indirect_vreg.gather [hbm4b:s7+s3], $0x80, v3, vm0, $0xb8;
	[tilespmem:$0x1F900] =	vst v63  }
0xfc: {  	_ =	swait.ge [sflag:s18], $0x7800  }
0xfd: {  	[sflag:s18] =	ssyncset.done $0x0  }
0xfe: {  	s4 =	simm.s32 @!p0 $0x8;
	[sflag:s18] =	ssyncadd.s32 $0xFFFF8800  }
0xff: {  	[hbm4b:s30+s3] =	stream.linear.scatter [tilespmem:s15], [sflag:$0x5], $0x7800, $0x38;
	[tilespmem:$0x1F900] =	vst v63  }
0x100: {  	_ =	swait.ge @!p0 [sflag:s4], $0x7800  }
0x101: {  	[sflag:s4] =	ssyncset.done @!p0 $0x0  }
0x102: {  	[sflag:s4] =	ssyncadd.s32 @!p0 $0xFFFF8800  }
0x103: {  	v3 =	vld [tilespmem:s29+$0x28];
	_ =	sdelay $0x4  }
0x104: {  	v61 =	vshrl.u32 v3, $0x3  }
0x105: {  	v4 =	vmul.u32 $0x30, v61  }
0x106: {  	v3 =	vand.u32 $0x7, v3  }
0x107: {  	v3 =	vor.u32 v3, v4  }
0x108: {  	v4 =	vperm.xlane v3, v0;
	_ =	sdelay $0x1  }
0x109: {  	v4 =	vadd.s32 v1, v4;
	_ =	sdelay $0x3  }
0x10a: {  	s5 =	sld [smem:$0x7F0];
	v3 =	vperm.xlane v3, v2  }
0x10b: {  	[tilespmem:s19], [sflag:$0x4] =	stream.indirect_vreg.gather [hbm4b:s1+s3], $0x80, v4, vm0, $0xb8;
	[tilespmem:$0x1F900] =	vst v63  }
0x10c: {  	s8 =	sld [smem:$0x7F1];
	v3 =	vadd.s32 v1, v3  }
0x10d: {  	[tilespmem:s5], [sflag:$0x4] =	stream.indirect_vreg.gather [hbm4b:s6+s3], $0x80, v4, vm0, $0xb8;
	[tilespmem:$0x1F900] =	vst v63  }
0x10e: {  	s9 =	sld [smem:$0x7F2]  }
0x10f: {  	[tilespmem:s8], [sflag:$0x4] =	stream.indirect_vreg.gather [hbm4b:s7+s3], $0x80, v4, vm0, $0xb8;
	[tilespmem:$0x1F900] =	vst v63  }
0x110: {  	s8 =	sld [smem:$0x7F3]  }
0x111: {  	[tilespmem:s9], [sflag:$0x4] =	stream.indirect_vreg.gather [hbm4b:s1+s3], $0x80, v3, vm0, $0xb8;
	[tilespmem:$0x1F900] =	vst v63  }
0x112: {  	s9 =	sld [smem:$0x7F4]  }
0x113: {  	[tilespmem:s8], [sflag:$0x4] =	stream.indirect_vreg.gather [hbm4b:s6+s3], $0x80, v3, vm0, $0xb8;
	[tilespmem:$0x1F900] =	vst v63  }
0x114: {  	_ = 	snop  }
0x115: {  	[tilespmem:s9], [sflag:$0x4] =	stream.indirect_vreg.gather [hbm4b:s7+s3], $0x80, v3, vm0, $0xb8;
	[tilespmem:$0x1F900] =	vst v63  }
0x116: {  	v3 =	vld [tilespmem:s29+$0x38];
	_ =	sdelay $0x4  }
0x117: {  	v62 =	vshrl.u32 v3, $0x3  }
0x118: {  	v4 =	vmul.u32 $0x30, v62  }
0x119: {  	v3 =	vand.u32 $0x7, v3  }
0x11a: {  	v3 =	vor.u32 v3, v4  }
0x11b: {  	v4 =	vperm.xlane v3, v0;
	_ =	sdelay $0x1  }
0x11c: {  	v4 =	vadd.s32 v1, v4;
	_ =	sdelay $0x1  }
0x11d: {  	s8 =	sld [smem:$0x7F5];
	_ =	sdelay $0x1  }
0x11e: {  	s9 =	sld [smem:$0x7F6];
	v3 =	vperm.xlane v3, v2  }
0x11f: {  	[tilespmem:s8], [sflag:$0x4] =	stream.indirect_vreg.gather [hbm4b:s1+s3], $0x80, v4, vm0, $0xb8;
	[tilespmem:$0x1F900] =	vst v63  }
0x120: {  	v3 =	vadd.s32 v1, v3;
	s8 =	sld [smem:$0x7F7]  }
0x121: {  	[tilespmem:s9], [sflag:$0x4] =	stream.indirect_vreg.gather [hbm4b:s6+s3], $0x80, v4, vm0, $0xb8;
	[tilespmem:$0x1F900] =	vst v63  }
0x122: {  	s9 =	sld [smem:$0x7F8]  }
0x123: {  	[tilespmem:s8], [sflag:$0x4] =	stream.indirect_vreg.gather [hbm4b:s7+s3], $0x80, v4, vm0, $0xb8;
	[tilespmem:$0x1F900] =	vst v63  }
0x124: {  	s8 =	sld [smem:$0x7F9]  }
0x125: {  	[tilespmem:s9], [sflag:$0x4] =	stream.indirect_vreg.gather [hbm4b:s1+s3], $0x80, v3, vm0, $0xb8;
	[tilespmem:$0x1F900] =	vst v63  }
0x126: {  	s9 =	sld [smem:$0x7FA]  }
0x127: {  	[tilespmem:s8], [sflag:$0x4] =	stream.indirect_vreg.gather [hbm4b:s6+s3], $0x80, v3, vm0, $0xb8;
	[tilespmem:$0x1F900] =	vst v63  }
0x128: {  	_ = 	snop  }
0x129: {  	[tilespmem:s9], [sflag:$0x4] =	stream.indirect_vreg.gather [hbm4b:s7+s3], $0x80, v3, vm0, $0xb8;
	[tilespmem:$0x1F900] =	vst v63  }
0x12a: {  	v3 =	vld.msk [tilespmem:s29+$0x48], $0xff;
	_ =	sdelay $0x4  }
0x12b: {  	v63 =	vshrl.u32 v3, $0x3  }
0x12c: {  	v4 =	vmul.u32 $0x30, v63  }
0x12d: {  	v3 =	vand.u32 $0x7, v3  }
0x12e: {  	v3 =	vor.u32 v3, v4  }
0x12f: {  	v3 =	vperm.xlane v3, v0;
	_ =	sdelay $0x1  }
0x130: {  	v3 =	vadd.s32 v1, v3;
	_ =	sdelay $0x1  }
0x131: {  	s5 =	sld [smem:$0x7FB];
	_ =	sdelay $0x1  }
0x132: {  	s8 =	sld [smem:$0x7FC]  }
0x133: {  	[tilespmem:s5], [sflag:$0x4] =	stream.indirect_vreg.gather [hbm4b:s1+s3], $0x80, v3, vm0, $0xb8;
	[tilespmem:$0x1F900] =	vst v63  }
0x134: {  	s0 =	sadd.s32 $0xA0, s0;
	s9 =	sld [smem:$0x7FD]  }
0x135: {  	[tilespmem:s8], [sflag:$0x4] =	stream.indirect_vreg.gather [hbm4b:s6+s3], $0x80, v3, vm0, $0xb8;
	[tilespmem:$0x1F900] =	vst v63  }
0x136: {  	p0 =	sne.s32 s0, $0x1900  }
0x137: {  	[tilespmem:s9], [sflag:$0x4] =	stream.indirect_vreg.gather [hbm4b:s7+s3], $0x80, v3, vm0, $0xb8;
	[tilespmem:$0x1F900] =	vst v63  }
.Ltmp0:
0x138: {  	_ =	swait.ge [sflag:s20], $0x7800;
	(pc) =	sbr.rel @p0 .LBB2_2-.Ltmp0, $4  }
0x139: {  	[sflag:s20] =	ssyncset.done $0x0  }
0x13a: {  	[sflag:s20] =	ssyncadd.s32 $0xFFFF8800  }
0x13b: {  	[hbm4b:s31+s3] =	stream.linear.scatter [tilespmem:s16], [sflag:$0x6], $0x7800, $0x38;
	[tilespmem:$0x1F900] =	vst v63  }
0x13c: {  	s30 =	sadd.s32 $0x3C00, s30;
	s29 =	sadd.s32 $0xA0, s29;
	s31 =	sadd.s32 $0x3C00, s31  }
0x13d: {  	_ =	swait.ge [sflag:s21], $0x7800  }
0x13e: {  	s0 =	sld [smem:$0x7E8]  }
0x13f: {  	[sflag:s21] =	ssyncset.done $0x0  }
0x140: {  	[sflag:s21] =	ssyncadd.s32 $0xFFFF8800  }
0x141: {  	[hbm4b:s0+s3] =	stream.linear.scatter [tilespmem:s17], [sflag:$0x7], $0x7800, $0x38;
	[tilespmem:$0x1F900] =	vst v63  }
0x142: {  	_ =	swait.ge [sflag:s22], $0x7800  }
0x143: {  	s31 =	sld [smem:$0x7EA]  }
0x144: {  	[sflag:s22] =	ssyncset.done $0x0  }
0x145: {  	[sflag:s22] =	ssyncadd.s32 $0xFFFF8800  }
0x146: {  	[hbm4b:s31+s3] =	stream.linear.scatter [tilespmem:s19], [sflag:$0x8], $0x7800, $0x38;
	[tilespmem:$0x1F900] =	vst v63  }
0x147: {  	_ =	swait.ge [sflag:s23], $0x7800  }
0x148: {  	[sflag:s23] =	ssyncset.done $0x0  }
0x149: {  	[sflag:s23] =	ssyncadd.s32 $0xFFFF8800  }
0x14a: {  	_ =	swait.ge [sflag:s24], $0x7800  }
0x14b: {  	[sflag:s24] =	ssyncset.done $0x0  }
0x14c: {  	s28 =	sadd.s32 $0x1, s28;
	[sflag:s24] =	ssyncadd.s32 $0xFFFF8800  }
0x14d: {  	p0 =	sne.s32 s28, s10;
	_ =	swait.ge [sflag:s25], $0x7800  }
.Ltmp1:
0x14e: {  	[sflag:s25] =	ssyncset.done $0x0;
	(pc) =	sbr.rel @p0 .LBB2_1-.Ltmp1, $4  }
0x14f: {  	[sflag:s25] =	ssyncadd.s32 $0xFFFF8800  }
0x150: {  	_ =	swait.ge [sflag:s26], $0x7800  }
0x151: {  	[sflag:s26] =	ssyncset.done $0x0  }
0x152: {  	[sflag:s26] =	ssyncadd.s32 $0xFFFF8800  }
0x153: {  	_ =	sfence.sel $0x180000  }
0x154: {  	[bflag:$0x0] =	sbarrier.arrive $0xFFFF  }
0x155: {  	_ =	strace $0x90000047  }
0x156: {  	s0 =	stileid.u32;
	[bflag:$0x2] =	sbarrier.arrive $0xFFFF  }
0x157: {  	p0 =	sne.s32 s0, $0x0;
	s0 =	rddreg [dreg:$0x3]  }
0x158: {  	s0 =	sadd.s32 @!p0 $0x100000, s0  }
0x159: {  	[sflag:s0] =	ssyncadd.tile.s32 @!p0 $0x1;
	_ =	shalt  }
.Lfunc_end2:
_tile_overlayer_lowered:
.L_overlay_start_2:
0x15a: {  	(tag) =	ssettag $0x2  }
0x15b: {  	s0 =	rddreg [dreg:$0x0];
	s2 =	stileid.u32  }
0x15c: {  	s1 =	rddreg [dreg:$0x1];
	p0 =	sne.s32 s2, $0x0  }
0x15d: {  	s3 =	rddreg [dreg:$0x2];
	[bflag:$0x3] =	sbarrier.arrive $0xFFFF;
	s2 =	simm.s32 @!p0 $0x1C09  }
0x15e: {  	[timem:s3], [sflag:s2] =	dma.local @!p0 [hbm:s0], s1  }
0x15f: {  	s0 =	simm.s32 @!p0 $0x9  }
0x160: {  	_ =	swait.ge @!p0 [sflag:s0], s1  }
0x161: {  	s1 =	ssub.s32 @!p0 $0x0, s1;
	[sflag:s0] =	ssyncset.done @!p0 $0x0  }
0x162: {  	[sflag:s0] =	ssyncadd.s32 @!p0 s1  }
0x163: {  	[bflag:$0x3] =	sbarrier.arrive $0xFFFF  }
0x164: {  	_ =	shalt  }

</sc_bundles>
